<compile_context>
chip_gen: v7x
topology: tpu7x:2x2x1
jax: 0.10.2.dev20260603
libtpu: 0.0.44.dev20260713+nightly
codegen_flags: <defaults>
</compile_context>

<pallas_src>
import functools

import jax
import jax.numpy as jnp
from jax import lax
from jax.experimental import pallas as pl
from jax.experimental.pallas import tpu as pltpu
from jax.experimental.pallas import tpu_sc as plsc

B = 16384
C = 26
V = 100000
D = 32

NC = 2
NS = 16
NW = NC * NS
L = 16
CB = 8192

_mesh = plsc.VectorSubcoreMesh(core_axis_name="c", subcore_axis_name="s")


@functools.partial(
    pl.kernel,
    out_type=jax.ShapeDtypeStruct((C * D, B), jnp.float32),
    mesh=_mesh,
    compiler_params=pltpu.CompilerParams(needs_layout_passes=False),
    scratch_types=[
        pltpu.VMEM((V,), jnp.float32),
        pltpu.VMEM((CB,), jnp.int32),
        pltpu.VMEM((CB,), jnp.float32),
        pltpu.VMEM((CB,), jnp.float32),
        pltpu.VMEM((C * D,), jnp.float32),
        pltpu.SemaphoreType.DMA,
        pltpu.SemaphoreType.DMA,
        pltpu.SemaphoreType.DMA,
    ],
)
def _embed(idx_hbm, tab_hbm, col_hbm, out_hbm,
           vec_v, idx_v, o0, o1, col_v, sem_v, sem_w0, sem_w1):
    w = lax.axis_index("s") * NC + lax.axis_index("c")

    def vdma(r):
        return pltpu.make_async_copy(tab_hbm.at[r], vec_v, sem_v)

    def wdma(o_ref, sem, r, hh):
        return pltpu.make_async_copy(
            o_ref, out_hbm.at[r, pl.ds(hh * CB, CB)], sem)

    pltpu.sync_copy(col_hbm, col_v)
    vdma(w).start()
    wdma(o0, sem_w0, w, 0).start()
    wdma(o1, sem_w1, w, 1).start()

    def per_c(c, carry):
        row = c * D + w
        nrow = jnp.minimum(c + 1, C - 1) * D + w
        bias = plsc.load_gather(col_v, [jnp.full((L,), row, jnp.int32)])

        pltpu.sync_copy(idx_hbm.at[c, pl.ds(0, CB)], idx_v)
        vdma(row).wait()
        wdma(o0, sem_w0, row, 0).wait()

        @plsc.parallel_loop(0, CB // L, unroll=8)
        def _g0(i):
            ids = idx_v[pl.ds(i * L, L)]
            o0[pl.ds(i * L, L)] = plsc.load_gather(vec_v, [ids]) + bias

        wdma(o0, sem_w0, row, 0).start()
        pltpu.sync_copy(idx_hbm.at[c, pl.ds(CB, CB)], idx_v)
        wdma(o1, sem_w1, row, 1).wait()

        @plsc.parallel_loop(0, CB // L, unroll=8)
        def _g1(i):
            ids = idx_v[pl.ds(i * L, L)]
            o1[pl.ds(i * L, L)] = plsc.load_gather(vec_v, [ids]) + bias

        vdma(nrow).start()
        wdma(o1, sem_w1, row, 1).start()
        return carry

    lax.fori_loop(0, C, per_c, 0)
    last = (C - 1) * D + w
    vdma(last).wait()
    wdma(o0, sem_w0, last, 0).wait()
    wdma(o1, sem_w1, last, 1).wait()


def kernel(indices, tables, col_table):
    idx_t = indices.astype(jnp.int32).T
    tab_t = tables.transpose(0, 2, 1).reshape(C * D, V)
    out = _embed(idx_t, tab_t, col_table.reshape(C * D))
    return out.reshape(C, D, B).transpose(2, 0, 1)

# --- scband reference (transcript-rebuilt; emitter-appended) ---
"""Pipeline reference for scband-vocab-embedder-57097295233568 (READ-ONLY COPY).

The authoritative reference and input builder live on the scoring server;
editing this copy changes nothing except your own understanding.
"""

import jax, jax.numpy as jnp
import numpy as np

B = 16384      # batch of rows to embed
C = 26         # number of columns (sparse fields), each with its own vocab/table
V = 100000     # vocab size per column (includes <UNK> at idx 0)
D = 32         # embedding_dim


def setup_inputs(seed: int = 0) -> dict:
    key = jax.random.key(seed)
    k1, k2, k3 = jax.random.split(key, 3)
    # indices[b, c] = vocab index of value in column c for row b (0 == <UNK>)
    indices = jax.random.randint(k1, (B, C), 0, V)
    # per-column value embedding tables, stacked: tables[c] is nn.Embedding(V, D) for column c
    tables = (jax.random.normal(k2, (C, V, D), dtype=jnp.float32) * 0.02)
    # learned column embedding: nn.Embedding(C, D)
    col_table = (jax.random.normal(k3, (C, D), dtype=jnp.float32) * 0.02)
    return {"indices": indices, "tables": tables, "col_table": col_table}


def reference(indices, tables, col_table):
    # embed_values() for every column: per-column gather from that column's table
    C_ = tables.shape[0]
    col_ids = jnp.arange(C_, dtype=indices.dtype)
    # vals[b, c, :] = tables[c, indices[b, c], :]
    vals = tables[col_ids[None, :], indices]  # [B, C, D]
    # embed_columns(): learned column embeddings, broadcast-added to value embeddings
    out = vals + col_table[None, :, :]        # [B, C, D]
    return out

if __name__ == "__main__":
    import jax
    _d = setup_inputs()
    print(jax.jit(kernel)(*tuple(_d.values())))

</pallas_src>

<mosaic_0001>
#map = affine_map<(d0, d1) -> (0, 0)>
#map1 = affine_map<(d0, d1) -> (0)>
module attributes {stable_mosaic.version = 14 : i64} {
  func.func @_embed(%arg0: i32, %arg1: i32, %arg2: memref<26x16384xi32, #tpu.memory_space<hbm>>, %arg3: memref<832x100000xf32, #tpu.memory_space<hbm>>, %arg4: memref<832xf32, #tpu.memory_space<hbm>>, %arg5: memref<832x16384xf32, #tpu.memory_space<hbm>>, %arg6: memref<100000xf32, #tpu.memory_space<vmem>>, %arg7: memref<8192xi32, #tpu.memory_space<vmem>>, %arg8: memref<8192xf32, #tpu.memory_space<vmem>>, %arg9: memref<8192xf32, #tpu.memory_space<vmem>>, %arg10: memref<832xf32, #tpu.memory_space<vmem>>, %arg11: memref<!tpu.dma_semaphore, #tpu.memory_space<semaphore_mem>>, %arg12: memref<!tpu.dma_semaphore, #tpu.memory_space<semaphore_mem>>, %arg13: memref<!tpu.dma_semaphore, #tpu.memory_space<semaphore_mem>>) attributes {dimension_semantics = [#tpu.dimension_semantics<core_parallel>, #tpu.dimension_semantics<subcore_parallel>], iteration_bounds = array<i64: 2, 16>, scalar_prefetch = 0 : i64, scratch_operands = 8 : i64, tpu.core_type = #tpu.core_type<sc_vector_subcore>, window_params = [{transform_indices = #map}, {transform_indices = #map}, {transform_indices = #map1}, {transform_indices = #map}]} {
    %mul3A = arith.constant 2 : i32
    %mul3A_0 = arith.muli %arg1, %mul3A : i32
    %add3A = arith.addi %mul3A_0, %arg0 : i32
    "tpu.region"() ({
      %run_scoped3A = tpu.sem_alloc : memref<!tpu.dma_semaphore, #tpu.memory_space<semaphore_mem>>
      tpu.enqueue_dma source(%arg4 : memref<832xf32, #tpu.memory_space<hbm>>) target(%arg10 : memref<832xf32, #tpu.memory_space<vmem>>) target_semaphore(%run_scoped3A : memref<!tpu.dma_semaphore, #tpu.memory_space<semaphore_mem>>)
      tpu.wait_dma2 semaphore(%run_scoped3A : memref<!tpu.dma_semaphore, #tpu.memory_space<semaphore_mem>>) src(%arg4 : memref<832xf32, #tpu.memory_space<hbm>>) dst(%arg10 : memref<832xf32, #tpu.memory_space<vmem>>)
      tpu.yield
    }) : () -> ()
    %dma_start3A = arith.constant 0 : i32
    %dma_start3A_1 = tpu.memref_slice %arg3[%add3A, %dma_start3A] : memref<832x100000xf32, #tpu.memory_space<hbm>> -> memref<1x100000xf32, #tpu.memory_space<hbm>>
    %dma_start3A_2 = tpu.memref_squeeze %dma_start3A_1 : memref<1x100000xf32, #tpu.memory_space<hbm>> -> memref<100000xf32, #tpu.memory_space<hbm>>
    %dma_start3A_3 = arith.constant 0 : i32
    %dma_start3A_4 = tpu.memref_slice %arg3[%add3A, %dma_start3A_3] : memref<832x100000xf32, #tpu.memory_space<hbm>> -> memref<1x100000xf32, #tpu.memory_space<hbm>>
    %dma_start3A_5 = tpu.memref_squeeze %dma_start3A_4 : memref<1x100000xf32, #tpu.memory_space<hbm>> -> memref<100000xf32, #tpu.memory_space<hbm>>
    tpu.enqueue_dma source(%dma_start3A_5 : memref<100000xf32, #tpu.memory_space<hbm>>) target(%arg6 : memref<100000xf32, #tpu.memory_space<vmem>>) target_semaphore(%arg11 : memref<!tpu.dma_semaphore, #tpu.memory_space<semaphore_mem>>)
    %dma_start3A_6 = arith.constant 0 : i32
    %dma_start3A_7 = tpu.memref_slice %arg5[%add3A, %dma_start3A_6] : memref<832x16384xf32, #tpu.memory_space<hbm>> -> memref<1x8192xf32, #tpu.memory_space<hbm>>
    %dma_start3A_8 = tpu.memref_squeeze %dma_start3A_7 : memref<1x8192xf32, #tpu.memory_space<hbm>> -> memref<8192xf32, #tpu.memory_space<hbm>>
    %dma_start3A_9 = arith.constant 0 : i32
    %dma_start3A_10 = tpu.memref_slice %arg5[%add3A, %dma_start3A_9] : memref<832x16384xf32, #tpu.memory_space<hbm>> -> memref<1x8192xf32, #tpu.memory_space<hbm>>
    %dma_start3A_11 = tpu.memref_squeeze %dma_start3A_10 : memref<1x8192xf32, #tpu.memory_space<hbm>> -> memref<8192xf32, #tpu.memory_space<hbm>>
    tpu.enqueue_dma source(%arg8 : memref<8192xf32, #tpu.memory_space<vmem>>) target(%dma_start3A_11 : memref<8192xf32, #tpu.memory_space<hbm>>) target_semaphore(%arg12 : memref<!tpu.dma_semaphore, #tpu.memory_space<semaphore_mem>>)
    %dma_start3A_12 = arith.constant 8192 : i32
    %dma_start3A_13 = tpu.memref_slice %arg5[%add3A, %dma_start3A_12] : memref<832x16384xf32, #tpu.memory_space<hbm>> -> memref<1x8192xf32, #tpu.memory_space<hbm>>
    %dma_start3A_14 = tpu.memref_squeeze %dma_start3A_13 : memref<1x8192xf32, #tpu.memory_space<hbm>> -> memref<8192xf32, #tpu.memory_space<hbm>>
    %dma_start3A_15 = arith.constant 8192 : i32
    %dma_start3A_16 = tpu.memref_slice %arg5[%add3A, %dma_start3A_15] : memref<832x16384xf32, #tpu.memory_space<hbm>> -> memref<1x8192xf32, #tpu.memory_space<hbm>>
    %dma_start3A_17 = tpu.memref_squeeze %dma_start3A_16 : memref<1x8192xf32, #tpu.memory_space<hbm>> -> memref<8192xf32, #tpu.memory_space<hbm>>
    tpu.enqueue_dma source(%arg9 : memref<8192xf32, #tpu.memory_space<vmem>>) target(%dma_start3A_17 : memref<8192xf32, #tpu.memory_space<hbm>>) target_semaphore(%arg13 : memref<!tpu.dma_semaphore, #tpu.memory_space<semaphore_mem>>)
    %scan3A = arith.constant 0 : i32
    %scan3A_18 = arith.constant 0 : i32
    %scan3A_19 = arith.constant 26 : i32
    %scan3A_20 = arith.addi %scan3A_18, %scan3A_19 : i32
    %scan3A_21 = arith.constant 1 : i32
    scf.for %scan3A_42 = %scan3A_18 to %scan3A_20 step %scan3A_21  : i32 {
      %mul3A_43 = arith.constant 32 : i32
      %mul3A_44 = arith.muli %scan3A_42, %mul3A_43 : i32
      %add3A_45 = arith.addi %mul3A_44, %add3A : i32
      %add3A_46 = arith.constant 1 : i32
      %add3A_47 = arith.addi %scan3A_42, %add3A_46 : i32
      %min3A = arith.constant 25 : i32
      %min3A_48 = arith.minsi %add3A_47, %min3A : i32
      %mul3A_49 = arith.constant 32 : i32
      %mul3A_50 = arith.muli %min3A_48, %mul3A_49 : i32
      %add3A_51 = arith.addi %mul3A_50, %add3A : i32
      %broadcast_in_dim3A = vector.broadcast %add3A_45 : i32 to vector<16xi32>
      %gather3A = tpu.vector_load_idx %arg10[%broadcast_in_dim3A] : memref<832xf32, #tpu.memory_space<vmem>>[vector<16xi32>], vector<16xf32>,
      "tpu.region"() ({
        %run_scoped3A = tpu.sem_alloc : memref<!tpu.dma_semaphore, #tpu.memory_space<semaphore_mem>>
        %dma_start3A_93 = arith.constant 0 : i32
        %dma_start3A_94 = tpu.memref_slice %arg2[%scan3A_42, %dma_start3A_93] : memref<26x16384xi32, #tpu.memory_space<hbm>> -> memref<1x8192xi32, #tpu.memory_space<hbm>>
        %dma_start3A_95 = tpu.memref_squeeze %dma_start3A_94 : memref<1x8192xi32, #tpu.memory_space<hbm>> -> memref<8192xi32, #tpu.memory_space<hbm>>
        %dma_start3A_96 = arith.constant 0 : i32
        %dma_start3A_97 = tpu.memref_slice %arg2[%scan3A_42, %dma_start3A_96] : memref<26x16384xi32, #tpu.memory_space<hbm>> -> memref<1x8192xi32, #tpu.memory_space<hbm>>
        %dma_start3A_98 = tpu.memref_squeeze %dma_start3A_97 : memref<1x8192xi32, #tpu.memory_space<hbm>> -> memref<8192xi32, #tpu.memory_space<hbm>>
        tpu.enqueue_dma source(%dma_start3A_98 : memref<8192xi32, #tpu.memory_space<hbm>>) target(%arg7 : memref<8192xi32, #tpu.memory_space<vmem>>) target_semaphore(%run_scoped3A : memref<!tpu.dma_semaphore, #tpu.memory_space<semaphore_mem>>)
        %dma_wait3A_99 = arith.constant 0 : i32
        %dma_wait3A_100 = tpu.memref_slice %arg2[%scan3A_42, %dma_wait3A_99] : memref<26x16384xi32, #tpu.memory_space<hbm>> -> memref<1x8192xi32, #tpu.memory_space<hbm>>
        %dma_wait3A_101 = tpu.memref_squeeze %dma_wait3A_100 : memref<1x8192xi32, #tpu.memory_space<hbm>> -> memref<8192xi32, #tpu.memory_space<hbm>>
        %dma_wait3A_102 = arith.constant 0 : i32
        %dma_wait3A_103 = tpu.memref_slice %arg2[%scan3A_42, %dma_wait3A_102] : memref<26x16384xi32, #tpu.memory_space<hbm>> -> memref<1x8192xi32, #tpu.memory_space<hbm>>
        %dma_wait3A_104 = tpu.memref_squeeze %dma_wait3A_103 : memref<1x8192xi32, #tpu.memory_space<hbm>> -> memref<8192xi32, #tpu.memory_space<hbm>>
        tpu.wait_dma2 semaphore(%run_scoped3A : memref<!tpu.dma_semaphore, #tpu.memory_space<semaphore_mem>>) src(%dma_wait3A_104 : memref<8192xi32, #tpu.memory_space<hbm>>) dst(%arg7 : memref<8192xi32, #tpu.memory_space<vmem>>)
        tpu.yield
      }) : () -> ()
      %dma_wait3A_52 = arith.constant 0 : i32
      %dma_wait3A_53 = tpu.memref_slice %arg3[%add3A_45, %dma_wait3A_52] : memref<832x100000xf32, #tpu.memory_space<hbm>> -> memref<1x100000xf32, #tpu.memory_space<hbm>>
      %dma_wait3A_54 = tpu.memref_squeeze %dma_wait3A_53 : memref<1x100000xf32, #tpu.memory_space<hbm>> -> memref<100000xf32, #tpu.memory_space<hbm>>
      %dma_wait3A_55 = arith.constant 0 : i32
      %dma_wait3A_56 = tpu.memref_slice %arg3[%add3A_45, %dma_wait3A_55] : memref<832x100000xf32, #tpu.memory_space<hbm>> -> memref<1x100000xf32, #tpu.memory_space<hbm>>
      %dma_wait3A_57 = tpu.memref_squeeze %dma_wait3A_56 : memref<1x100000xf32, #tpu.memory_space<hbm>> -> memref<100000xf32, #tpu.memory_space<hbm>>
      tpu.wait_dma2 semaphore(%arg11 : memref<!tpu.dma_semaphore, #tpu.memory_space<semaphore_mem>>) src(%dma_wait3A_57 : memref<100000xf32, #tpu.memory_space<hbm>>) dst(%arg6 : memref<100000xf32, #tpu.memory_space<vmem>>)
      %dma_wait3A_58 = arith.constant 0 : i32
      %dma_wait3A_59 = tpu.memref_slice %arg5[%add3A_45, %dma_wait3A_58] : memref<832x16384xf32, #tpu.memory_space<hbm>> -> memref<1x8192xf32, #tpu.memory_space<hbm>>
      %dma_wait3A_60 = tpu.memref_squeeze %dma_wait3A_59 : memref<1x8192xf32, #tpu.memory_space<hbm>> -> memref<8192xf32, #tpu.memory_space<hbm>>
      %dma_wait3A_61 = arith.constant 0 : i32
      %dma_wait3A_62 = tpu.memref_slice %arg5[%add3A_45, %dma_wait3A_61] : memref<832x16384xf32, #tpu.memory_space<hbm>> -> memref<1x8192xf32, #tpu.memory_space<hbm>>
      %dma_wait3A_63 = tpu.memref_squeeze %dma_wait3A_62 : memref<1x8192xf32, #tpu.memory_space<hbm>> -> memref<8192xf32, #tpu.memory_space<hbm>>
      tpu.wait_dma2 semaphore(%arg12 : memref<!tpu.dma_semaphore, #tpu.memory_space<semaphore_mem>>) src(%arg8 : memref<8192xf32, #tpu.memory_space<vmem>>) dst(%dma_wait3A_63 : memref<8192xf32, #tpu.memory_space<hbm>>)
      %parallel_loop3A = arith.constant 0 : i32
      %parallel_loop3A_64 = arith.constant 512 : i32
      %parallel_loop3A_65 = arith.constant 1 : i32
      scf.for %parallel_loop3A_93 = %parallel_loop3A to %parallel_loop3A_64 step %parallel_loop3A_65  : i32 {
        %parallel_loop3A_94 = arith.constant 16 : i32
        %parallel_loop3A_95 = arith.muli %parallel_loop3A_93, %parallel_loop3A_94 : i32
        %parallel_loop3A_96 = arith.index_cast %parallel_loop3A_95 : i32 to index
        %parallel_loop3A_97 = tpu.vector_load %arg7[%parallel_loop3A_96] {strides = array<i32>} : memref<8192xi32, #tpu.memory_space<vmem>>, vector<16xi32>,
        %parallel_loop3A_98 = tpu.vector_load_idx %arg6[%parallel_loop3A_97] : memref<100000xf32, #tpu.memory_space<vmem>>[vector<16xi32>], vector<16xf32>,
        %parallel_loop3A_99 = arith.addf %parallel_loop3A_98, %gather3A : vector<16xf32>
        %parallel_loop3A_100 = arith.constant 16 : i32
        %parallel_loop3A_101 = arith.muli %parallel_loop3A_93, %parallel_loop3A_100 : i32
        %parallel_loop3A_102 = arith.index_cast %parallel_loop3A_101 : i32 to index
        %parallel_loop3A_103 = tpu.vector_load %arg8[%parallel_loop3A_102] {strides = array<i32>} : memref<8192xf32, #tpu.memory_space<vmem>>, vector<16xf32>,
        tpu.vector_store %arg8[%parallel_loop3A_102], %parallel_loop3A_99 {strides = array<i32>} : memref<8192xf32, #tpu.memory_space<vmem>>, vector<16xf32>,
      } {sc.loop_unroll_factor = 8 : i64, sc.parallel_access}
      %dma_start3A_66 = arith.constant 0 : i32
      %dma_start3A_67 = tpu.memref_slice %arg5[%add3A_45, %dma_start3A_66] : memref<832x16384xf32, #tpu.memory_space<hbm>> -> memref<1x8192xf32, #tpu.memory_space<hbm>>
      %dma_start3A_68 = tpu.memref_squeeze %dma_start3A_67 : memref<1x8192xf32, #tpu.memory_space<hbm>> -> memref<8192xf32, #tpu.memory_space<hbm>>
      %dma_start3A_69 = arith.constant 0 : i32
      %dma_start3A_70 = tpu.memref_slice %arg5[%add3A_45, %dma_start3A_69] : memref<832x16384xf32, #tpu.memory_space<hbm>> -> memref<1x8192xf32, #tpu.memory_space<hbm>>
      %dma_start3A_71 = tpu.memref_squeeze %dma_start3A_70 : memref<1x8192xf32, #tpu.memory_space<hbm>> -> memref<8192xf32, #tpu.memory_space<hbm>>
      tpu.enqueue_dma source(%arg8 : memref<8192xf32, #tpu.memory_space<vmem>>) target(%dma_start3A_71 : memref<8192xf32, #tpu.memory_space<hbm>>) target_semaphore(%arg12 : memref<!tpu.dma_semaphore, #tpu.memory_space<semaphore_mem>>)
      "tpu.region"() ({
        %run_scoped3A = tpu.sem_alloc : memref<!tpu.dma_semaphore, #tpu.memory_space<semaphore_mem>>
        %dma_start3A_93 = arith.constant 8192 : i32
        %dma_start3A_94 = tpu.memref_slice %arg2[%scan3A_42, %dma_start3A_93] : memref<26x16384xi32, #tpu.memory_space<hbm>> -> memref<1x8192xi32, #tpu.memory_space<hbm>>
        %dma_start3A_95 = tpu.memref_squeeze %dma_start3A_94 : memref<1x8192xi32, #tpu.memory_space<hbm>> -> memref<8192xi32, #tpu.memory_space<hbm>>
        %dma_start3A_96 = arith.constant 8192 : i32
        %dma_start3A_97 = tpu.memref_slice %arg2[%scan3A_42, %dma_start3A_96] : memref<26x16384xi32, #tpu.memory_space<hbm>> -> memref<1x8192xi32, #tpu.memory_space<hbm>>
        %dma_start3A_98 = tpu.memref_squeeze %dma_start3A_97 : memref<1x8192xi32, #tpu.memory_space<hbm>> -> memref<8192xi32, #tpu.memory_space<hbm>>
        tpu.enqueue_dma source(%dma_start3A_98 : memref<8192xi32, #tpu.memory_space<hbm>>) target(%arg7 : memref<8192xi32, #tpu.memory_space<vmem>>) target_semaphore(%run_scoped3A : memref<!tpu.dma_semaphore, #tpu.memory_space<semaphore_mem>>)
        %dma_wait3A_99 = arith.constant 8192 : i32
        %dma_wait3A_100 = tpu.memref_slice %arg2[%scan3A_42, %dma_wait3A_99] : memref<26x16384xi32, #tpu.memory_space<hbm>> -> memref<1x8192xi32, #tpu.memory_space<hbm>>
        %dma_wait3A_101 = tpu.memref_squeeze %dma_wait3A_100 : memref<1x8192xi32, #tpu.memory_space<hbm>> -> memref<8192xi32, #tpu.memory_space<hbm>>
        %dma_wait3A_102 = arith.constant 8192 : i32
        %dma_wait3A_103 = tpu.memref_slice %arg2[%scan3A_42, %dma_wait3A_102] : memref<26x16384xi32, #tpu.memory_space<hbm>> -> memref<1x8192xi32, #tpu.memory_space<hbm>>
        %dma_wait3A_104 = tpu.memref_squeeze %dma_wait3A_103 : memref<1x8192xi32, #tpu.memory_space<hbm>> -> memref<8192xi32, #tpu.memory_space<hbm>>
        tpu.wait_dma2 semaphore(%run_scoped3A : memref<!tpu.dma_semaphore, #tpu.memory_space<semaphore_mem>>) src(%dma_wait3A_104 : memref<8192xi32, #tpu.memory_space<hbm>>) dst(%arg7 : memref<8192xi32, #tpu.memory_space<vmem>>)
        tpu.yield
      }) : () -> ()
      %dma_wait3A_72 = arith.constant 8192 : i32
      %dma_wait3A_73 = tpu.memref_slice %arg5[%add3A_45, %dma_wait3A_72] : memref<832x16384xf32, #tpu.memory_space<hbm>> -> memref<1x8192xf32, #tpu.memory_space<hbm>>
      %dma_wait3A_74 = tpu.memref_squeeze %dma_wait3A_73 : memref<1x8192xf32, #tpu.memory_space<hbm>> -> memref<8192xf32, #tpu.memory_space<hbm>>
      %dma_wait3A_75 = arith.constant 8192 : i32
      %dma_wait3A_76 = tpu.memref_slice %arg5[%add3A_45, %dma_wait3A_75] : memref<832x16384xf32, #tpu.memory_space<hbm>> -> memref<1x8192xf32, #tpu.memory_space<hbm>>
      %dma_wait3A_77 = tpu.memref_squeeze %dma_wait3A_76 : memref<1x8192xf32, #tpu.memory_space<hbm>> -> memref<8192xf32, #tpu.memory_space<hbm>>
      tpu.wait_dma2 semaphore(%arg13 : memref<!tpu.dma_semaphore, #tpu.memory_space<semaphore_mem>>) src(%arg9 : memref<8192xf32, #tpu.memory_space<vmem>>) dst(%dma_wait3A_77 : memref<8192xf32, #tpu.memory_space<hbm>>)
      %parallel_loop3A_78 = arith.constant 0 : i32
      %parallel_loop3A_79 = arith.constant 512 : i32
      %parallel_loop3A_80 = arith.constant 1 : i32
      scf.for %parallel_loop3A_93 = %parallel_loop3A_78 to %parallel_loop3A_79 step %parallel_loop3A_80  : i32 {
        %parallel_loop3A_94 = arith.constant 16 : i32
        %parallel_loop3A_95 = arith.muli %parallel_loop3A_93, %parallel_loop3A_94 : i32
        %parallel_loop3A_96 = arith.index_cast %parallel_loop3A_95 : i32 to index
        %parallel_loop3A_97 = tpu.vector_load %arg7[%parallel_loop3A_96] {strides = array<i32>} : memref<8192xi32, #tpu.memory_space<vmem>>, vector<16xi32>,
        %parallel_loop3A_98 = tpu.vector_load_idx %arg6[%parallel_loop3A_97] : memref<100000xf32, #tpu.memory_space<vmem>>[vector<16xi32>], vector<16xf32>,
        %parallel_loop3A_99 = arith.addf %parallel_loop3A_98, %gather3A : vector<16xf32>
        %parallel_loop3A_100 = arith.constant 16 : i32
        %parallel_loop3A_101 = arith.muli %parallel_loop3A_93, %parallel_loop3A_100 : i32
        %parallel_loop3A_102 = arith.index_cast %parallel_loop3A_101 : i32 to index
        %parallel_loop3A_103 = tpu.vector_load %arg9[%parallel_loop3A_102] {strides = array<i32>} : memref<8192xf32, #tpu.memory_space<vmem>>, vector<16xf32>,
        tpu.vector_store %arg9[%parallel_loop3A_102], %parallel_loop3A_99 {strides = array<i32>} : memref<8192xf32, #tpu.memory_space<vmem>>, vector<16xf32>,
      } {sc.loop_unroll_factor = 8 : i64, sc.parallel_access}
      %dma_start3A_81 = arith.constant 0 : i32
      %dma_start3A_82 = tpu.memref_slice %arg3[%add3A_51, %dma_start3A_81] : memref<832x100000xf32, #tpu.memory_space<hbm>> -> memref<1x100000xf32, #tpu.memory_space<hbm>>
      %dma_start3A_83 = tpu.memref_squeeze %dma_start3A_82 : memref<1x100000xf32, #tpu.memory_space<hbm>> -> memref<100000xf32, #tpu.memory_space<hbm>>
      %dma_start3A_84 = arith.constant 0 : i32
      %dma_start3A_85 = tpu.memref_slice %arg3[%add3A_51, %dma_start3A_84] : memref<832x100000xf32, #tpu.memory_space<hbm>> -> memref<1x100000xf32, #tpu.memory_space<hbm>>
      %dma_start3A_86 = tpu.memref_squeeze %dma_start3A_85 : memref<1x100000xf32, #tpu.memory_space<hbm>> -> memref<100000xf32, #tpu.memory_space<hbm>>
      tpu.enqueue_dma source(%dma_start3A_86 : memref<100000xf32, #tpu.memory_space<hbm>>) target(%arg6 : memref<100000xf32, #tpu.memory_space<vmem>>) target_semaphore(%arg11 : memref<!tpu.dma_semaphore, #tpu.memory_space<semaphore_mem>>)
      %dma_start3A_87 = arith.constant 8192 : i32
      %dma_start3A_88 = tpu.memref_slice %arg5[%add3A_45, %dma_start3A_87] : memref<832x16384xf32, #tpu.memory_space<hbm>> -> memref<1x8192xf32, #tpu.memory_space<hbm>>
      %dma_start3A_89 = tpu.memref_squeeze %dma_start3A_88 : memref<1x8192xf32, #tpu.memory_space<hbm>> -> memref<8192xf32, #tpu.memory_space<hbm>>
      %dma_start3A_90 = arith.constant 8192 : i32
      %dma_start3A_91 = tpu.memref_slice %arg5[%add3A_45, %dma_start3A_90] : memref<832x16384xf32, #tpu.memory_space<hbm>> -> memref<1x8192xf32, #tpu.memory_space<hbm>>
      %dma_start3A_92 = tpu.memref_squeeze %dma_start3A_91 : memref<1x8192xf32, #tpu.memory_space<hbm>> -> memref<8192xf32, #tpu.memory_space<hbm>>
      tpu.enqueue_dma source(%arg9 : memref<8192xf32, #tpu.memory_space<vmem>>) target(%dma_start3A_92 : memref<8192xf32, #tpu.memory_space<hbm>>) target_semaphore(%arg13 : memref<!tpu.dma_semaphore, #tpu.memory_space<semaphore_mem>>)
    }
    %scan3A_22 = arith.constant 26 : i32
    %add3A_23 = arith.constant 800 : i32
    %add3A_24 = arith.addi %add3A_23, %add3A : i32
    %dma_wait3A = arith.constant 0 : i32
    %dma_wait3A_25 = tpu.memref_slice %arg3[%add3A_24, %dma_wait3A] : memref<832x100000xf32, #tpu.memory_space<hbm>> -> memref<1x100000xf32, #tpu.memory_space<hbm>>
    %dma_wait3A_26 = tpu.memref_squeeze %dma_wait3A_25 : memref<1x100000xf32, #tpu.memory_space<hbm>> -> memref<100000xf32, #tpu.memory_space<hbm>>
    %dma_wait3A_27 = arith.constant 0 : i32
    %dma_wait3A_28 = tpu.memref_slice %arg3[%add3A_24, %dma_wait3A_27] : memref<832x100000xf32, #tpu.memory_space<hbm>> -> memref<1x100000xf32, #tpu.memory_space<hbm>>
    %dma_wait3A_29 = tpu.memref_squeeze %dma_wait3A_28 : memref<1x100000xf32, #tpu.memory_space<hbm>> -> memref<100000xf32, #tpu.memory_space<hbm>>
    tpu.wait_dma2 semaphore(%arg11 : memref<!tpu.dma_semaphore, #tpu.memory_space<semaphore_mem>>) src(%dma_wait3A_29 : memref<100000xf32, #tpu.memory_space<hbm>>) dst(%arg6 : memref<100000xf32, #tpu.memory_space<vmem>>)
    %dma_wait3A_30 = arith.constant 0 : i32
    %dma_wait3A_31 = tpu.memref_slice %arg5[%add3A_24, %dma_wait3A_30] : memref<832x16384xf32, #tpu.memory_space<hbm>> -> memref<1x8192xf32, #tpu.memory_space<hbm>>
    %dma_wait3A_32 = tpu.memref_squeeze %dma_wait3A_31 : memref<1x8192xf32, #tpu.memory_space<hbm>> -> memref<8192xf32, #tpu.memory_space<hbm>>
    %dma_wait3A_33 = arith.constant 0 : i32
    %dma_wait3A_34 = tpu.memref_slice %arg5[%add3A_24, %dma_wait3A_33] : memref<832x16384xf32, #tpu.memory_space<hbm>> -> memref<1x8192xf32, #tpu.memory_space<hbm>>
    %dma_wait3A_35 = tpu.memref_squeeze %dma_wait3A_34 : memref<1x8192xf32, #tpu.memory_space<hbm>> -> memref<8192xf32, #tpu.memory_space<hbm>>
    tpu.wait_dma2 semaphore(%arg12 : memref<!tpu.dma_semaphore, #tpu.memory_space<semaphore_mem>>) src(%arg8 : memref<8192xf32, #tpu.memory_space<vmem>>) dst(%dma_wait3A_35 : memref<8192xf32, #tpu.memory_space<hbm>>)
    %dma_wait3A_36 = arith.constant 8192 : i32
    %dma_wait3A_37 = tpu.memref_slice %arg5[%add3A_24, %dma_wait3A_36] : memref<832x16384xf32, #tpu.memory_space<hbm>> -> memref<1x8192xf32, #tpu.memory_space<hbm>>
    %dma_wait3A_38 = tpu.memref_squeeze %dma_wait3A_37 : memref<1x8192xf32, #tpu.memory_space<hbm>> -> memref<8192xf32, #tpu.memory_space<hbm>>
    %dma_wait3A_39 = arith.constant 8192 : i32
    %dma_wait3A_40 = tpu.memref_slice %arg5[%add3A_24, %dma_wait3A_39] : memref<832x16384xf32, #tpu.memory_space<hbm>> -> memref<1x8192xf32, #tpu.memory_space<hbm>>
    %dma_wait3A_41 = tpu.memref_squeeze %dma_wait3A_40 : memref<1x8192xf32, #tpu.memory_space<hbm>> -> memref<8192xf32, #tpu.memory_space<hbm>>
    tpu.wait_dma2 semaphore(%arg13 : memref<!tpu.dma_semaphore, #tpu.memory_space<semaphore_mem>>) src(%arg9 : memref<8192xf32, #tpu.memory_space<vmem>>) dst(%dma_wait3A_41 : memref<8192xf32, #tpu.memory_space<hbm>>)
    return
  }
}

</mosaic_0001>

<sc_bundles>
// kernel: kernel.3.cloned.1.call-start
scs
__scs_entry_jumppad:
0x0: {  	(pc) =	sbr.rel $0x88, $3  }
0x1: {  	(tag) =	ssettag $0x0;
	lr =	simm.s32 $0x1  }
0x2: {  	[smem:$0x3F9E] =	sst lr;
	_ =	strace $0xD0000000  }
0x3: {  	_ = 	snop  }
0x4: {  	_ = 	snop  }
0x5: {  	_ = 	snop  }
0x6: {  	_ = 	snop  }
0x7: {  	_ = 	snop  }
__scs_overlays_trampoline_lowered:
0x8: {  	[smem:$0x3FAD] =	sst s0  }
0x9: {  	[smem:$0x3FAE] =	sst s1  }
0xa: {  	[smem:$0x3FAF] =	sst s2  }
0xb: {  	[smem:$0x3FB0] =	sst s3  }
0xc: {  	[smem:$0x3FB1] =	sst s4  }
0xd: {  	[smem:$0x3FB2] =	sst s5  }
0xe: {  	[smem:$0x3FB3] =	sst s6  }
0xf: {  	[smem:$0x3FB4] =	sst s7  }
0x10: {  	[smem:$0x3FB5] =	sst s8  }
0x11: {  	[smem:$0x3FB6] =	sst s9;
	s0 =	simm.s32 @!p0 $0x0  }
0x12: {  	s1 =	sld [smem:$0x3F9C];
	s0 =	simm.s32 @p0 $0x1  }
0x13: {  	[smem:$0x3FB7] =	sst s0;
	s0 =	simm.s32 @!p1 $0x0  }
0x14: {  	s2 =	sld [smem:$0x3F9B];
	s0 =	simm.s32 @p1 $0x1  }
0x15: {  	[smem:$0x3FB8] =	sst s0;
	s0 =	simm.s32 @!p2 $0x0  }
0x16: {  	s3 =	sld [smem:$0x3FDB];
	s0 =	simm.s32 @p2 $0x1  }
0x17: {  	s4 =	simm.s32 $0x1BF5;
	[smem:$0x3FBA] =	sst s0  }
0x18: {  	s0 =	sld [smem:$0x3F9D];
	_ =	swait.ge [sflag:s4], $0x0  }
0x19: {  	s7 =	sld [smem:$0x3F9E]  }
0x1a: {  	s8 =	sadd.s32 $0xFFFFE003, lr  }
0x1b: {  	s9 =	sadd.s32 $0xFFFFFEF7, lr;
	s5 =	simm.s32 $0xFFFFFFFF;
	p2 =	slt.u32 s8, $0xFFFFF086  }
0x1c: {  	p1 =	slt.u32 s9, $0xF7A;
	s5 =	simm.s32 @!p2 $0x0  }
0x1d: {  	s5 =	simm.s32 @p1 $0x1;
	p0 =	seq.s32 s7, s2  }
0x1e: {  	s7 =	smul.u32 @!p0 $0xF7A, s2;
	p2 =	seq.s32 @!p0 s5, $0x0  }
0x1f: {  	s9 =	smul.u32 $0xF7A, s1;
	s8 =	simm.s32 @!p0 $0x1BF5;
	p2 =	por !p2, p0  }
0x20: {  	[sflag:s8] =	ssyncset.s32 @!p0 $0xFFFFF086;
	s6 =	sadd.s32 @!p0 s3, s7;
	s7 =	simm.s32 @!p0 $0x108  }
0x21: {  	s3 =	sadd.s32 s3, s9;
	s6 =	sadd.s32 @!p0 $0x88, s6;
	s7 =	simm.s32 @p2 $0x1082  }
0x22: {  	[simem:s7], [sflag:s8] =	dma.local @!p0 [hbm:s6], $0xF7A  }
0x23: {  	s9 =	sor.u32 $0xD0000000, s2;
	s6 =	simm.s32 $0x108;
	_ =	swait.ge @!p0 [sflag:s8], $0x0  }
0x24: {  	s3 =	sadd.s32 $0x88, s3;
	s6 =	simm.s32 @!p1 $0x1082;
	[sflag:s4] =	ssyncset.s32 $0xFFFFF086  }
0x25: {  	[simem:s6], [sflag:s4] =	dma.local [hbm:s3], $0xF7A  }
0x26: {  	[smem:$0x3F9E] =	sst s1;
	(tag) =	ssettag s2;
	_ =	strace s9  }
0x27: {  	s1 =	sld [smem:$0x3FAE]  }
0x28: {  	s2 =	sld [smem:$0x3FAF]  }
0x29: {  	s4 =	sld [smem:$0x3FB1]  }
0x2a: {  	p0 =	seq.s32 s5, $0x0;
	s5 =	sld [smem:$0x3FB2]  }
0x2b: {  	s6 =	sld [smem:$0x3FB3]  }
0x2c: {  	s7 =	sld [smem:$0x3FB4]  }
0x2d: {  	s3 =	simm.s32 $0x108;
	s8 =	sld [smem:$0x3FB5]  }
0x2e: {  	s3 =	simm.s32 @!p0 $0x1082;
	s9 =	sld [smem:$0x3FB6]  }
0x2f: {  	lr =	sadd.s32 s0, s3;
	s0 =	sld [smem:$0x3FAD]  }
0x30: {  	s3 =	sld [smem:$0x3FB0]  }
0x31: {  	[smem:$0x3FB9] =	sst s10  }
0x32: {  	s10 =	sld [smem:$0x3FB7];
	_ =	sdelay $0x3  }
0x33: {  	p0 =	seq.s32 s10, $0x1;
	s10 =	sld [smem:$0x3FB9];
	_ =	sdelay $0x3  }
0x34: {  	[smem:$0x3FB9] =	sst s10  }
0x35: {  	s10 =	sld [smem:$0x3FB8];
	_ =	sdelay $0x3  }
0x36: {  	p1 =	seq.s32 s10, $0x1;
	s10 =	sld [smem:$0x3FB9];
	_ =	sdelay $0x3  }
0x37: {  	[smem:$0x3FB9] =	sst s10  }
0x38: {  	s10 =	sld [smem:$0x3FBA]  }
0x39: {  	_ = 	snop;
	(pc) =	sbr.ind lr, $3  }
0x3a: {  	_ = 	snop  }
0x3b: {  	_ = 	snop  }
0x3c: {  	p2 =	seq.s32 s10, $0x1;
	s10 =	sld [smem:$0x3FB9]  }
0x3d: {  	_ =	shalt  }
0x3e: {  	_ =	shalt  }
0x3f: {  	_ =	shalt  }
0x40: {  	_ =	shalt  }
0x41: {  	_ =	shalt  }
0x42: {  	_ =	shalt  }
0x43: {  	_ =	shalt  }
0x44: {  	_ =	shalt  }
0x45: {  	_ =	shalt  }
0x46: {  	_ =	shalt  }
0x47: {  	_ =	shalt  }
0x48: {  	_ =	shalt  }
0x49: {  	_ =	shalt  }
0x4a: {  	_ =	shalt  }
0x4b: {  	_ =	shalt  }
0x4c: {  	_ =	shalt  }
0x4d: {  	_ =	shalt  }
0x4e: {  	_ =	shalt  }
0x4f: {  	_ =	shalt  }
0x50: {  	_ =	shalt  }
0x51: {  	_ =	shalt  }
0x52: {  	_ =	shalt  }
0x53: {  	_ =	shalt  }
0x54: {  	_ =	shalt  }
0x55: {  	_ =	shalt  }
0x56: {  	_ =	shalt  }
0x57: {  	_ =	shalt  }
0x58: {  	_ =	shalt  }
0x59: {  	_ =	shalt  }
0x5a: {  	_ =	shalt  }
0x5b: {  	_ =	shalt  }
0x5c: {  	_ =	shalt  }
0x5d: {  	_ =	shalt  }
0x5e: {  	_ =	shalt  }
0x5f: {  	_ =	shalt  }
0x60: {  	_ =	shalt  }
0x61: {  	_ =	shalt  }
0x62: {  	_ =	shalt  }
0x63: {  	_ =	shalt  }
0x64: {  	_ =	shalt  }
0x65: {  	_ =	shalt  }
0x66: {  	_ =	shalt  }
0x67: {  	_ =	shalt  }
0x68: {  	_ =	shalt  }
0x69: {  	_ =	shalt  }
0x6a: {  	_ =	shalt  }
0x6b: {  	_ =	shalt  }
0x6c: {  	_ =	shalt  }
0x6d: {  	_ =	shalt  }
0x6e: {  	_ =	shalt  }
0x6f: {  	_ =	shalt  }
0x70: {  	_ =	shalt  }
0x71: {  	_ =	shalt  }
0x72: {  	_ =	shalt  }
0x73: {  	_ =	shalt  }
0x74: {  	_ =	shalt  }
0x75: {  	_ =	shalt  }
0x76: {  	_ =	shalt  }
0x77: {  	_ =	shalt  }
0x78: {  	_ =	shalt  }
0x79: {  	_ =	shalt  }
0x7a: {  	_ =	shalt  }
0x7b: {  	_ =	shalt  }
0x7c: {  	_ =	shalt  }
0x7d: {  	_ =	shalt  }
0x7e: {  	_ =	shalt  }
0x7f: {  	_ =	shalt  }
0x80: {  	_ =	shalt  }
0x81: {  	_ =	shalt  }
0x82: {  	_ =	shalt  }
0x83: {  	_ =	shalt  }
0x84: {  	_ =	shalt  }
0x85: {  	_ =	shalt  }
0x86: {  	_ =	shalt  }
0x87: {  	_ =	shalt  }
.Lfunc_end0:
.L_simem_size_0:
called_computation_lowered:
.L_overlay_start_0:
0x88: {  	s2 =	sld [smem:$0x3FD9]  }
0x89: {  	s3 =	sld [smem:$0x3FFE];
	_ =	sdelay $0x1  }
0x8a: {  	s1 =	srdreg.scid  }
0x8b: {  	s0 =	sand.u32 $0x1, s1  }
0x8c: {  	s17 =	sshll.u32 s0, $0xA;
	s2 =	sadd.s32 s3, s2  }
0x8d: {  	s2 =	sadd.s32 s2, s17  }
0x8e: {  	[smem:$0x3FC5] =	sst s2  }
0x8f: {  	_ = 	snop  }
0x90: {  	s2 =	sld [smem:$0x3FC9]  }
0x91: {  	s18 =	sld [smem:$0x3FC8]  }
0x92: {  	s4 =	sld [smem:$0x3FD0];
	(tm) =	ssettm $0x1  }
0x93: {  	s5 =	sld [smem:$0x3FFB];
	_ =	sdelay $0x3  }
0x94: {  	_ =	strace s5  }
0x95: {  	s5 =	sld [smem:$0x3FFC];
	_ =	sdelay $0x3  }
0x96: {  	_ =	strace s5  }
0x97: {  	s5 =	sld [smem:$0x3FFD];
	_ =	sdelay $0x3  }
0x98: {  	_ =	strace s5  }
0x99: {  	_ =	strace $0x8FFFFFFF  }
0x9a: {  	s19 =	sld [smem:$0x3FDB];
	_ =	sdelay $0x1  }
0x9b: {  	s6 =	simm.s32 $_scs_section_size  }
0x9c: {  	s7 =	simm.s32 $_size__tile_overlayer_lowered;
	s8 =	simm.s32 $_tile_overlayer_lowered  }
0x9d: {  	s22 =	simm.s32 $0x1BFF;
	s21 =	sshll.u32 s8, $0x1;
	s5 =	sadd.s32 s6, s19  }
0x9e: {  	s9 =	simm.s32 $0x0;
	s20 =	sshll.u32 s7, $0x1;
	s7 =	sadd.s32 s21, s5  }
0x9f: {  	[timem:s9], [sflag:s22] =	dma.local [hbm:s7], s20  }
0xa0: {  	_ =	swait.ge [sflag:s22], s20  }
0xa1: {  	s6 =	ssub.s32 $0x0, s20;
	[sflag:s22] =	ssyncset.done $0x0  }
0xa2: {  	[sflag:s22] =	ssyncadd.s32 s6;
	_ =	sdelay $0x1  }
0xa3: {  	s23 =	simm.s32 $0x1B8B  }
0xa4: {  	_ =	swait.ge [sflag:s23], $0x1  }
0xa5: {  	[sflag:s23] =	ssyncset.done $0x0  }
0xa6: {  	s25 =	simm.s32 $0x1B8E;
	s24 =	sld [smem:$0x3FFE];
	[sflag:s23] =	ssyncadd.s32 $0xFFFFFFFF  }
0xa7: {  	s26 =	simm.s32 $execute0_lowered;
	[smem:$0x3FD2] =	sst s25  }
0xa8: {  	s7 =	sshll.u32 s26, $0x1;
	_ =	strace $0x80000046;
	[dreg:$0x1] =	wrdreg $0xFFFFFFFF  }
0xa9: {  	s28 =	simm.s32 $_size_execute0_lowered;
	s5 =	sadd.s32 s5, s7;
	[dreg:$0x0] =	wrdreg $0x0  }
0xaa: {  	s7 =	sshll.u32 s28, $0x1;
	[dreg:$0x2] =	wrdreg s5  }
0xab: {  	[dreg:$0x3] =	wrdreg s7  }
0xac: {  	[dreg:$0x4] =	wrdreg $0xC0  }
0xad: {  	_ =	task [dreg:s9], $0x5FFFF  }
0xae: {  	[dreg:$0x1] =	wrdreg $0xFFFFFFFF  }
0xaf: {  	[dreg:$0x0] =	wrdreg $0x60  }
0xb0: {  	[dreg:$0x2] =	wrdreg s2  }
0xb1: {  	[dreg:$0x3] =	wrdreg s18  }
0xb2: {  	[dreg:$0x4] =	wrdreg s24  }
0xb3: {  	[dreg:$0x5] =	wrdreg s4  }
0xb4: {  	[dreg:$0x6] =	wrdreg $0x9  }
0xb5: {  	_ =	task.clear_ibuf [dreg:s9], $0x7FFFF;
	_ =	strace $0x90000046  }
0xb6: {  	s29 =	simm.s32 $0x9;
	_ =	strace $0x80000048  }
0xb7: {  	_ =	swait.ge [sflag:s29], $0x1  }
0xb8: {  	[sflag:s29] =	ssyncadd.s32 $0xFFFFFFFF  }
0xb9: {  	_ =	strace $0x90000048  }
0xba: {  	_ =	sfence  }
0xbb: {  	s30 =	sld [smem:$0x0];
	_ =	sdelay $0x2  }
0xbc: {  	s31 =	sshll.u32 s1, $0xD;
	s1 =	sshrl.u32 s1, $0x2  }
0xbd: {  	s3 =	sand.u32 $0x4000, s31;
	s1 =	sadd.s32 s1, s30  }
0xbe: {  	s0 =	sor.u32 s3, s0;
	s1 =	sshll.u32 s1, $0x11  }
0xbf: {  	s0 =	sor.u32 s1, s0  }
0xc0: {  	s0 =	sadd.s32 $0x8F2B, s0  }
0xc1: {  	[sflag:s0] =	ssyncadd.remote.s32 $0x1  }
0xc2: {  	_ =	sfence.sel $0xFFFF  }
0xc3: {  	[dreg:$0x0] =	wrdreg $0xFFFFFFFF;
	(pc) =	sbr.abs _section_cstart, $3  }
0xc4: {  	[dreg:$0x1] =	wrdreg $0xFFFFFFFF  }
0xc5: {  	_ =	task.clear_ibuf [dreg:s9], $0x2FFFF;
	_ =	strace $0x9FFFFFFF  }
0xc6: {  	(tm) =	ssettm $0x7FFFFFFF  }
0xc7: {  	_ =	shalt  }
tec
execute0_lowered:
.L_overlay_start_1:
0x0: {  	(tag) =	ssettag $0x1  }
0x1: {  	s1 =	rddreg [dreg:$0x0]  }
0x2: {  	s2 =	rddreg [dreg:$0x1]  }
0x3: {  	s0 =	rddreg [dreg:$0x2]  }
0x4: {  	s4 =	rddreg [dreg:$0x3]  }
0x5: {  	s3 =	srdreg.scid;
	s8 =	stileid.u32;
	s5 =	simm.s32 $0x0  }
0x6: {  	s16 =	simm.s32 $0x1E700;
	s17 =	simm.s32 $0x4;
	s18 =	simm.s32 $0x80  }
0x7: {  	s19 =	simm.s32 $0x400;
	s20 =	simm.s32 $0x1A700;
	s21 =	simm.s32 $0x1C700  }
0x8: {  	s22 =	simm.s32 $0x18700;
	s23 =	simm.s32 $0x1;
	s24 =	simm.s32 $0x2  }
0x9: {  	s25 =	simm.s32 $0x3;
	s26 =	simm.s32 $0x0;
	s3 =	sand.u32 $0x1, s3  }
0xa: {  	s6 =	sshll.u32 s8, $0x1;
	[smem:$0x7FF] =	sst s5;
	s8 =	sshrl.u32 s8, $0x2  }
0xb: {  	s0 =	sadd.s32 $0x400, s0;
	s11 =	sadd.s32 $0x2000, s4;
	s14 =	sadd.s32 $0x2000, s1  }
0xc: {  	s7 =	sor.u32 s3, s6;
	_ =	strace $0x80000047;
	s10 =	smul.u32 $0xC3800, s8  }
0xd: {  	[dreg:$0x5] =	wrdreg s0;
	s29 =	ssub.s32 $0x2, s3;
	s9 =	sshll.u32 s7, $0x7  }
0xe: {  	s8 =	sshll.u32 s8, $0x11;
	s3 =	sshrl.u32 s29, $0x1;
	s9 =	sand.u32 $0x380, s9  }
0xf: {  	s0 =	ssub.s32 s29, s3;
	s10 =	sor.u32 s10, s9;
	s8 =	sor.u32 s8, s9  }
0x10: {  	s15 =	smax.u32 s0, $0x1;
	s30 =	sshrl.u32 s10, $0x3;
	s31 =	sshrl.u32 s8, $0x3  }
0x11: {  	s10 =	sadd.s32 s2, s30;
	s12 =	sadd.s32 s4, s31;
	s13 =	sadd.s32 s31, s11  }
.LBB2_1:
0x12: {  	s0 =	rddreg [dreg:$0x5]  }
0x13: {  	[tilespmem:s16], [sflag:$0x4] =	stream.linear.gather [hbm4b:s0+s5], $0x380, $0x38;
	[tilespmem:$0x1EA80] =	vst v63  }
0x14: {  	_ =	swait.ge [sflag:s17], $0x380  }
0x15: {  	[sflag:s17] =	ssyncset.done $0x0  }
0x16: {  	[sflag:s17] =	ssyncadd.s32 $0xFFFFFC80  }
0x17: {  	[tilespmem:s5], [sflag:$0x1] =	stream.strided.gather [hbm4b:s10+s18], $0x18700, s19, s18, $0x38;
	[tilespmem:$0x1EA80] =	vst v63  }
0x18: {  	_ = 	snop  }
0x19: {  	[hbm4b:s12+s18] =	stream.strided.scatter [tilespmem:s20], [sflag:$0x2], $0x2000, s19, s18, $0x38;
	[tilespmem:$0x1EA80] =	vst v63  }
0x1a: {  	s28 =	simm.s32 $0x0  }
0x1b: {  	[hbm4b:s13+s18] =	stream.strided.scatter [tilespmem:s21], [sflag:$0x3], $0x2000, s19, s18, $0x38;
	[tilespmem:$0x1EA80] =	vst v63  }
.LBB2_2:
0x1c: {  	s0 =	sshll.u32 s28, $0x5  }
0x1d: {  	s0 =	sor.u32 s7, s0  }
0x1e: {  	v0 =	vmov s0  }
0x1f: {  	s3 =	sshll.u32 s28, $0xB;
	s8 =	sshll.u32 s28, $0x4  }
0x20: {  	s3 =	sand.u32 $0xC000, s3;
	s8 =	sand.u32 $0x70, s8  }
0x21: {  	s29 =	sor.u32 s8, s3  }
0x22: {  	s3 =	sadd.s32 s1, s29  }
0x23: {  	v0 =	vld.idx.msk [tilespmem:v0+s16+$0x0], $0xffff;
	[tilespmem:s22], [sflag:$0x4] =	stream.strided.gather [hbm4b:s3+s18], $0x2000, s19, s18, $0x38  }
0x24: {  	_ =	swait.ge [sflag:s17], $0x2000  }
0x25: {  	[sflag:s17] =	ssyncset.done $0x0  }
0x26: {  	[sflag:s17] =	ssyncadd.s32 $0xFFFFE000  }
0x27: {  	_ =	swait.ge [sflag:s23], $0x18700  }
0x28: {  	[sflag:s23] =	ssyncset.done $0x0  }
0x29: {  	[sflag:s23] =	ssyncadd.s32 $0xFFFE7900  }
0x2a: {  	_ =	swait.ge [sflag:s24], $0x2000  }
0x2b: {  	[sflag:s24] =	ssyncset.done $0x0  }
0x2c: {  	s8 =	simm.s32 $0x18740;
	[sflag:s24] =	ssyncadd.s32 $0xFFFFE000  }
0x2d: {  	v1 =	vld [tilespmem:s8+$0x30]  }
0x2e: {  	v2 =	vld [tilespmem:s8+$0xFFFFFFD0]  }
0x2f: {  	v3 =	vld [tilespmem:s8+$0xFFFFFFE0]  }
0x30: {  	v4 =	vld [tilespmem:s8+$0xFFFFFFF0]  }
0x31: {  	v7 =	vld [tilespmem:s8+$0x0]  }
0x32: {  	v8 =	vld [tilespmem:s8+$0x10]  }
0x33: {  	v9 =	vld [tilespmem:s8+$0x20]  }
0x34: {  	v10 =	vld [tilespmem:s8+$0xFFFFFFC0]  }
0x35: {  	v11 =	vld.idx.msk [tilespmem:v1+s5+$0x0], $0xffff  }
0x36: {  	v12 =	vld.idx.msk [tilespmem:v2+s5+$0x0], $0xffff  }
0x37: {  	v6 =	vld.idx.msk [tilespmem:v3+s5+$0x0], $0xffff  }
0x38: {  	s0 =	sshll.u32 s0, $0xE;
	v5 =	vld.idx.msk [tilespmem:v4+s5+$0x0], $0xffff  }
0x39: {  	s0 =	sand.u32 $0xFE0000, s0;
	v4 =	vld.idx.msk [tilespmem:v7+s5+$0x0], $0xffff  }
0x3a: {  	s0 =	sor.u32 s9, s0;
	v2 =	vld.idx.msk [tilespmem:v8+s5+$0x0], $0xffff  }
0x3b: {  	s30 =	sshrl.u32 s0, $0x3;
	s0 =	simm.s32 $0x1A740;
	v1 =	vld.idx.msk [tilespmem:v9+s5+$0x0], $0xffff;
	v7 =	vadd.f32 v11, v0  }
0x3c: {  	s31 =	sadd.s32 s4, s30;
	s3 =	simm.s32 $0x0;
	s8 =	simm.s32 $0x187C0;
	v3 =	vld.idx.msk [tilespmem:v10+s5+$0x0], $0xffff;
	v8 =	vadd.f32 v12, v0  }
.LBB2_3:
0x3d: {  	v9 =	vld [tilespmem:s8+$0x30];
	s3 =	sadd.s32 $0x8, s3;
	v6 =	vadd.f32 v6, v0;
	[tilespmem:s0+$0x30] =	vst v7  }
0x3e: {  	v5 =	vadd.f32 v5, v0;
	v7 =	vld [tilespmem:s8+$0xFFFFFFD0];
	p0 =	slt.u32 s3, $0x1F8;
	[tilespmem:s0+$0xFFFFFFD0] =	vst v8  }
0x3f: {  	v4 =	vadd.f32 v4, v0;
	v8 =	vld [tilespmem:s8+$0xFFFFFFE0];
	[tilespmem:s0+$0xFFFFFFE0] =	vst v6  }
0x40: {  	v2 =	vadd.f32 v2, v0;
	v10 =	vld [tilespmem:s8+$0xFFFFFFF0];
	[tilespmem:s0+$0xFFFFFFF0] =	vst v5  }
0x41: {  	v1 =	vadd.f32 v1, v0;
	v11 =	vld [tilespmem:s8+$0x0];
	[tilespmem:s0+$0x0] =	vst v4  }
0x42: {  	v3 =	vadd.f32 v3, v0;
	v12 =	vld [tilespmem:s8+$0x10];
	[tilespmem:s0+$0x10] =	vst v2  }
0x43: {  	v13 =	vld [tilespmem:s8+$0x20];
	[tilespmem:s0+$0x20] =	vst v1  }
0x44: {  	v14 =	vld [tilespmem:s8+$0xFFFFFFC0];
	[tilespmem:s0+$0xFFFFFFC0] =	vst v3  }
0x45: {  	v3 =	vld.idx.msk [tilespmem:v9+s5+$0x0], $0xffff  }
0x46: {  	v9 =	vld.idx.msk [tilespmem:v7+s5+$0x0], $0xffff  }
0x47: {  	v6 =	vld.idx.msk [tilespmem:v8+s5+$0x0], $0xffff  }
.Ltmp0:
0x48: {  	v5 =	vld.idx.msk [tilespmem:v10+s5+$0x0], $0xffff;
	(pc) =	sbr.rel @p0 .LBB2_3-.Ltmp0, $4  }
0x49: {  	v4 =	vld.idx.msk [tilespmem:v11+s5+$0x0], $0xffff  }
0x4a: {  	v2 =	vld.idx.msk [tilespmem:v12+s5+$0x0], $0xffff  }
0x4b: {  	v7 =	vadd.f32 v3, v0;
	v1 =	vld.idx.msk [tilespmem:v13+s5+$0x0], $0xffff  }
0x4c: {  	s8 =	sadd.s32 $0x80, s8;
	s0 =	sadd.s32 $0x80, s0;
	v8 =	vadd.f32 v9, v0;
	v3 =	vld.idx.msk [tilespmem:v14+s5+$0x0], $0xffff  }
0x4d: {  	v6 =	vadd.f32 v6, v0;
	[tilespmem:s0+$0x30] =	vst v7  }
0x4e: {  	v5 =	vadd.f32 v5, v0;
	[tilespmem:s0+$0xFFFFFFD0] =	vst v8  }
0x4f: {  	v4 =	vadd.f32 v4, v0;
	[tilespmem:s0+$0xFFFFFFE0] =	vst v6  }
0x50: {  	[tilespmem:s0+$0xFFFFFFF0] =	vst v5;
	v2 =	vadd.f32 v2, v0  }
0x51: {  	[tilespmem:s0+$0x0] =	vst v4;
	v1 =	vadd.f32 v1, v0  }
0x52: {  	v3 =	vadd.f32 v3, v0;
	[tilespmem:s0+$0x10] =	vst v2  }
0x53: {  	[tilespmem:s0+$0x20] =	vst v1  }
0x54: {  	[tilespmem:s0+$0xFFFFFFC0] =	vst v3  }
0x55: {  	[hbm4b:s31+s18] =	stream.strided.scatter [tilespmem:s20], [sflag:$0x2], $0x2000, s19, s18, $0x38;
	[tilespmem:$0x1EA80] =	vst v63  }
0x56: {  	s8 =	sadd.s32 s29, s14  }
0x57: {  	[tilespmem:s22], [sflag:$0x4] =	stream.strided.gather [hbm4b:s8+s18], $0x2000, s19, s18, $0x38;
	[tilespmem:$0x1EA80] =	vst v63  }
0x58: {  	_ =	swait.ge [sflag:s17], $0x2000  }
0x59: {  	[sflag:s17] =	ssyncset.done $0x0  }
0x5a: {  	[sflag:s17] =	ssyncadd.s32 $0xFFFFE000  }
0x5b: {  	_ =	swait.ge [sflag:s25], $0x2000  }
0x5c: {  	[sflag:s25] =	ssyncset.done $0x0  }
0x5d: {  	s31 =	simm.s32 $0x18740;
	[sflag:s25] =	ssyncadd.s32 $0xFFFFE000  }
0x5e: {  	v1 =	vld [tilespmem:s31+$0x30]  }
0x5f: {  	v2 =	vld [tilespmem:s31+$0xFFFFFFD0]  }
0x60: {  	v3 =	vld [tilespmem:s31+$0xFFFFFFE0]  }
0x61: {  	v4 =	vld [tilespmem:s31+$0xFFFFFFF0]  }
0x62: {  	v7 =	vld [tilespmem:s31+$0x0]  }
0x63: {  	v8 =	vld [tilespmem:s31+$0x10]  }
0x64: {  	v9 =	vld [tilespmem:s31+$0x20]  }
0x65: {  	v10 =	vld [tilespmem:s31+$0xFFFFFFC0]  }
0x66: {  	v11 =	vld.idx.msk [tilespmem:v1+s5+$0x0], $0xffff  }
0x67: {  	v12 =	vld.idx.msk [tilespmem:v2+s5+$0x0], $0xffff  }
0x68: {  	v6 =	vld.idx.msk [tilespmem:v3+s5+$0x0], $0xffff  }
0x69: {  	v5 =	vld.idx.msk [tilespmem:v4+s5+$0x0], $0xffff  }
0x6a: {  	v4 =	vld.idx.msk [tilespmem:v7+s5+$0x0], $0xffff  }
0x6b: {  	v2 =	vld.idx.msk [tilespmem:v8+s5+$0x0], $0xffff  }
0x6c: {  	s29 =	sadd.s32 s30, s11;
	v1 =	vld.idx.msk [tilespmem:v9+s5+$0x0], $0xffff;
	v8 =	vadd.f32 v11, v0  }
0x6d: {  	s30 =	simm.s32 $0x1C740;
	s3 =	simm.s32 $0x187C0;
	s0 =	simm.s32 $0x0;
	v3 =	vld.idx.msk [tilespmem:v10+s5+$0x0], $0xffff;
	v7 =	vadd.f32 v12, v0  }
.LBB2_5:
0x6e: {  	v9 =	vld [tilespmem:s3+$0x30];
	s0 =	sadd.s32 $0x8, s0;
	v6 =	vadd.f32 v6, v0;
	[tilespmem:s30+$0x30] =	vst v8  }
0x6f: {  	v5 =	vadd.f32 v5, v0;
	v8 =	vld [tilespmem:s3+$0xFFFFFFD0];
	p0 =	slt.u32 s0, $0x1F8;
	[tilespmem:s30+$0xFFFFFFD0] =	vst v7  }
0x70: {  	v4 =	vadd.f32 v4, v0;
	v7 =	vld [tilespmem:s3+$0xFFFFFFE0];
	[tilespmem:s30+$0xFFFFFFE0] =	vst v6  }
0x71: {  	v2 =	vadd.f32 v2, v0;
	v10 =	vld [tilespmem:s3+$0xFFFFFFF0];
	[tilespmem:s30+$0xFFFFFFF0] =	vst v5  }
0x72: {  	v1 =	vadd.f32 v1, v0;
	v11 =	vld [tilespmem:s3+$0x0];
	[tilespmem:s30+$0x0] =	vst v4  }
0x73: {  	v3 =	vadd.f32 v3, v0;
	v12 =	vld [tilespmem:s3+$0x10];
	[tilespmem:s30+$0x10] =	vst v2  }
0x74: {  	v13 =	vld [tilespmem:s3+$0x20];
	[tilespmem:s30+$0x20] =	vst v1  }
0x75: {  	v14 =	vld [tilespmem:s3+$0xFFFFFFC0];
	[tilespmem:s30+$0xFFFFFFC0] =	vst v3  }
0x76: {  	v3 =	vld.idx.msk [tilespmem:v9+s5+$0x0], $0xffff  }
0x77: {  	v9 =	vld.idx.msk [tilespmem:v8+s5+$0x0], $0xffff  }
0x78: {  	v6 =	vld.idx.msk [tilespmem:v7+s5+$0x0], $0xffff  }
.Ltmp1:
0x79: {  	v5 =	vld.idx.msk [tilespmem:v10+s5+$0x0], $0xffff;
	(pc) =	sbr.rel @p0 .LBB2_5-.Ltmp1, $4  }
0x7a: {  	v4 =	vld.idx.msk [tilespmem:v11+s5+$0x0], $0xffff  }
0x7b: {  	v2 =	vld.idx.msk [tilespmem:v12+s5+$0x0], $0xffff  }
0x7c: {  	v8 =	vadd.f32 v3, v0;
	v1 =	vld.idx.msk [tilespmem:v13+s5+$0x0], $0xffff  }
0x7d: {  	s3 =	sadd.s32 $0x80, s3;
	s30 =	sadd.s32 $0x80, s30;
	v7 =	vadd.f32 v9, v0;
	v3 =	vld.idx.msk [tilespmem:v14+s5+$0x0], $0xffff  }
0x7e: {  	s28 =	sadd.s32 $0x1, s28  }
0x7f: {  	s0 =	smin.u32 s28, $0x19  }
0x80: {  	v6 =	vadd.f32 v6, v0;
	[tilespmem:s30+$0x30] =	vst v8;
	s0 =	sshll.u32 s0, $0x5  }
0x81: {  	v5 =	vadd.f32 v5, v0;
	[tilespmem:s30+$0xFFFFFFD0] =	vst v7;
	s0 =	sor.u32 s6, s0  }
0x82: {  	v4 =	vadd.f32 v4, v0;
	[tilespmem:s30+$0xFFFFFFE0] =	vst v6;
	s0 =	sshrl.u32 s0, $0x3  }
0x83: {  	[tilespmem:s30+$0xFFFFFFF0] =	vst v5;
	v2 =	vadd.f32 v2, v0;
	s0 =	smul.u32 $0xC3800, s0  }
0x84: {  	[tilespmem:s30+$0x0] =	vst v4;
	v1 =	vadd.f32 v1, v0  }
0x85: {  	p0 =	sne.s32 s28, $0x1A;
	v63 =	vadd.f32 v3, v0;
	[tilespmem:s30+$0x10] =	vst v2;
	s0 =	sor.u32 s9, s0  }
.Ltmp2:
0x86: {  	[tilespmem:s30+$0x20] =	vst v1;
	s0 =	sshrl.u32 s0, $0x3;
	(pc) =	sbr.rel @p0 .LBB2_2-.Ltmp2, $4  }
0x87: {  	[tilespmem:s30+$0xFFFFFFC0] =	vst v63;
	s0 =	sadd.s32 s2, s0  }
0x88: {  	[tilespmem:s5], [sflag:$0x1] =	stream.strided.gather [hbm4b:s0+s18], $0x18700, s19, s18, $0x38;
	[tilespmem:$0x1EA80] =	vst v63  }
0x89: {  	_ = 	snop  }
0x8a: {  	[hbm4b:s29+s18] =	stream.strided.scatter [tilespmem:s21], [sflag:$0x3], $0x2000, s19, s18, $0x38;
	[tilespmem:$0x1EA80] =	vst v63  }
0x8b: {  	_ =	swait.ge [sflag:s23], $0x18700  }
0x8c: {  	[sflag:s23] =	ssyncset.done $0x0  }
0x8d: {  	s26 =	sadd.s32 $0x1, s26;
	[sflag:s23] =	ssyncadd.s32 $0xFFFE7900  }
0x8e: {  	p0 =	sne.s32 s26, s15;
	_ =	swait.ge [sflag:s24], $0x2000  }
.Ltmp3:
0x8f: {  	[sflag:s24] =	ssyncset.done $0x0;
	(pc) =	sbr.rel @p0 .LBB2_1-.Ltmp3, $4  }
0x90: {  	[sflag:s24] =	ssyncadd.s32 $0xFFFFE000  }
0x91: {  	_ =	swait.ge [sflag:s25], $0x2000  }
0x92: {  	[sflag:s25] =	ssyncset.done $0x0  }
0x93: {  	[sflag:s25] =	ssyncadd.s32 $0xFFFFE000  }
0x94: {  	_ =	sfence.sel $0x180000  }
0x95: {  	[bflag:$0x0] =	sbarrier.arrive $0xFFFF  }
0x96: {  	_ =	strace $0x90000047  }
0x97: {  	s0 =	stileid.u32;
	[bflag:$0x2] =	sbarrier.arrive $0xFFFF  }
0x98: {  	p0 =	sne.s32 s0, $0x0;
	s0 =	rddreg [dreg:$0x4]  }
0x99: {  	s0 =	sadd.s32 @!p0 $0x100000, s0  }
0x9a: {  	[sflag:s0] =	ssyncadd.tile.s32 @!p0 $0x1;
	_ =	shalt  }
.Lfunc_end2:
_tile_overlayer_lowered:
.L_overlay_start_2:
0x9b: {  	(tag) =	ssettag $0x2  }
0x9c: {  	s0 =	rddreg [dreg:$0x0];
	s2 =	stileid.u32  }
0x9d: {  	s1 =	rddreg [dreg:$0x1];
	p0 =	sne.s32 s2, $0x0  }
0x9e: {  	s3 =	rddreg [dreg:$0x2];
	[bflag:$0x3] =	sbarrier.arrive $0xFFFF;
	s2 =	simm.s32 @!p0 $0x1C04  }
0x9f: {  	[timem:s3], [sflag:s2] =	dma.local @!p0 [hbm:s0], s1  }
0xa0: {  	s0 =	simm.s32 @!p0 $0x4  }
0xa1: {  	_ =	swait.ge @!p0 [sflag:s0], s1  }
0xa2: {  	s1 =	ssub.s32 @!p0 $0x0, s1;
	[sflag:s0] =	ssyncset.done @!p0 $0x0  }
0xa3: {  	[sflag:s0] =	ssyncadd.s32 @!p0 s1  }
0xa4: {  	[bflag:$0x3] =	sbarrier.arrive $0xFFFF  }
0xa5: {  	_ =	shalt  }

</sc_bundles>
